<compile_context>
chip_gen: v7x
topology: tpu7x:2x2x1
jax: 0.10.2.dev20260603
libtpu: 0.0.44.dev20260713+nightly
codegen_flags: <defaults>
</compile_context>

<pallas_src>
import functools

import jax
import jax.numpy as jnp
from jax import lax
from jax.experimental import pallas as pl
from jax.experimental.pallas import tpu as pltpu
from jax.experimental.pallas import tpu_sc as plsc

_V = 100000
_BB = 32



def _s_body(idx_hbm, prow_hbm, w1_hbm, table_hbm, s_hbm,
            idx_v, prow_v, w1_v, table_v, out_v):
    @pl.when((lax.axis_index("c") == 0) & (lax.axis_index("s") == 0))
    def _():
        pltpu.sync_copy(idx_hbm, idx_v)
        pltpu.sync_copy(prow_hbm, prow_v)
        pltpu.sync_copy(w1_hbm, w1_v)
        pltpu.sync_copy(table_hbm, table_v)
        acc = jnp.zeros((16,), jnp.float32)
        for h in range(2):
            iv = idx_v[pl.ds(h * 16, 16)]
            vals = plsc.load_gather(table_v, [iv])
            acc = acc + vals * prow_v[pl.ds(h * 16, 16)]
        tot = jnp.sum(acc)
        out_v[...] = tot * w1_v[...]
        pltpu.sync_copy(out_v, s_hbm)


def _s_sc(idx, prow, w1b, table):
    mesh = plsc.VectorSubcoreMesh(core_axis_name="c", subcore_axis_name="s")
    fn = pl.kernel(
        _s_body,
        out_type=jax.ShapeDtypeStruct((16,), jnp.float32),
        mesh=mesh,
        scratch_types=[
            pltpu.VMEM((32,), jnp.int32),
            pltpu.VMEM((32,), jnp.float32),
            pltpu.VMEM((16,), jnp.float32),
            pltpu.VMEM((_V,), jnp.float32),
            pltpu.VMEM((16,), jnp.float32),
        ],
        compiler_params=pltpu.CompilerParams(needs_layout_passes=False),
    )
    return fn(idx, prow, w1b, table)



def _main_body(s_ref, x_ref, f_ref, o_ref):
    s = s_ref[0]
    y = x_ref[...] + s * f_ref[...]
    m = jnp.max(y, axis=1, keepdims=True)
    l = jnp.log(jnp.sum(jnp.exp(y - m), axis=1, keepdims=True))
    o_ref[...] = y - m - l


def _main(s, x, f):
    batch, vocab = x.shape
    return pl.pallas_call(
        _main_body,
        grid=(batch // _BB,),
        in_specs=[
            pl.BlockSpec(memory_space=pltpu.SMEM),
            pl.BlockSpec((_BB, vocab), lambda b: (b, 0)),
            pl.BlockSpec((1, vocab), lambda b: (0, 0)),
        ],
        out_specs=pl.BlockSpec((_BB, vocab), lambda b: (b, 0)),
        out_shape=jax.ShapeDtypeStruct((batch, vocab), jnp.float32),
        compiler_params=pltpu.CompilerParams(
            dimension_semantics=("arbitrary",),
            vmem_limit_bytes=100 * 1024 * 1024,
        ),
    )(s, x, f)


def kernel(decoder_output, decoded_words, pattern, w1, lv_table, i, j, batch_size):
    n = jnp.asarray(i, dtype=jnp.int32) * 7 + jnp.asarray(j, dtype=jnp.int32)
    cond = (n > 0) & (jnp.asarray(j) < 7) & (jnp.asarray(i) < 4)

    nd = decoded_words.shape[1]
    idx = jnp.pad(decoded_words[0], (0, 32 - nd))
    prow = jnp.pad(jnp.take(pattern, n, axis=0), (0, 4))
    w1b = jnp.broadcast_to(jnp.where(cond, w1[0], 0.0), (16,)).astype(jnp.float32)
    table = lv_table[:, 0]

    s16 = _s_sc(idx, prow, w1b, table)
    s = s16[:1]

    f = lv_table.reshape(1, -1)
    return _main(s, decoder_output, f)

# --- scband reference (transcript-rebuilt; emitter-appended) ---
"""Pipeline reference for scband-regularization-86045374808216 (READ-ONLY COPY).

The authoritative reference and input builder live on the scoring server;
editing this copy changes nothing except your own understanding.
"""

import jax, jax.numpy as jnp
import numpy as np

VOCAB = 100000
BATCH = 1024
EMB = 1  # lv_embed_size must be 1 for the original torch code's shapes to line up
N_DEC = 9  # i=1, j=2 -> n = i*7 + j = 9 decoded words so far


def setup_inputs(seed: int = 0) -> dict:
    key = jax.random.key(seed)
    k1, k2, k3, k4, k5 = jax.random.split(key, 5)
    decoder_output = jax.random.normal(k1, (BATCH, VOCAB), dtype=jnp.float32)
    decoded_words = jax.random.randint(k2, (1, N_DEC), 0, VOCAB, dtype=jnp.int32)
    # learned / buffered parameters of the module
    pattern = jax.random.normal(k3, (28, 28), dtype=jnp.float32) * 0.1  # self.pattern
    w1 = jax.random.normal(k4, (1,), dtype=jnp.float32)                 # self.w1
    lv_table = jax.random.normal(k5, (VOCAB, EMB), dtype=jnp.float32)   # lv_emb == lv_embedding.weight
    return {
        "decoder_output": decoder_output,
        "decoded_words": decoded_words,
        "pattern": pattern,
        "w1": w1,
        "lv_table": lv_table,
        "i": 1,
        "j": 2,
        "batch_size": BATCH,
    }


def reference(decoder_output, decoded_words, pattern, w1, lv_table, i, j, batch_size):
    n = jnp.asarray(i, dtype=jnp.int32) * 7 + jnp.asarray(j, dtype=jnp.int32)
    cond = (n > 0) & (jnp.asarray(j) < 7) & (jnp.asarray(i) < 4)
    pad_amt = 28 - decoded_words.shape[1]
    decoded_words_pad = jnp.pad(decoded_words, ((0, 0), (0, pad_amt)), constant_values=0)  # [1, 28]
    dec_emb = jnp.take(lv_table, decoded_words_pad, axis=0)        # [1, 28, 1] embedding lookup
    de = jnp.transpose(dec_emb, (1, 0, 2)).squeeze(2)              # [28, 1]
    lv_pred = jnp.matmul(pattern[n][None, :], de)                  # [1, 1]
    feature1 = (lv_table * lv_pred).T                              # [1, VOCAB]
    decoder_output = jnp.where(cond, decoder_output + w1 * feature1, decoder_output)
    return jax.nn.log_softmax(decoder_output, axis=1)

if __name__ == "__main__":
    import jax
    _d = setup_inputs()
    print(jax.jit(kernel)(*tuple(_d.values())))

</pallas_src>

<mosaic_0001>
#map = affine_map<(d0, d1) -> (0)>
module attributes {stable_mosaic.version = 14 : i64} {
  func.func @_s_body(%arg0: i32, %arg1: i32, %arg2: memref<32xi32, #tpu.memory_space<hbm>>, %arg3: memref<32xf32, #tpu.memory_space<hbm>>, %arg4: memref<16xf32, #tpu.memory_space<hbm>>, %arg5: memref<100000xf32, #tpu.memory_space<hbm>>, %arg6: memref<16xf32, #tpu.memory_space<hbm>>, %arg7: memref<32xi32, #tpu.memory_space<vmem>>, %arg8: memref<32xf32, #tpu.memory_space<vmem>>, %arg9: memref<16xf32, #tpu.memory_space<vmem>>, %arg10: memref<100000xf32, #tpu.memory_space<vmem>>, %arg11: memref<16xf32, #tpu.memory_space<vmem>>) attributes {dimension_semantics = [#tpu.dimension_semantics<core_parallel>, #tpu.dimension_semantics<subcore_parallel>], iteration_bounds = array<i64: 2, 16>, scalar_prefetch = 0 : i64, scratch_operands = 5 : i64, tpu.core_type = #tpu.core_type<sc_vector_subcore>, window_params = [{transform_indices = #map}, {transform_indices = #map}, {transform_indices = #map}, {transform_indices = #map}, {transform_indices = #map}]} {
    %eq3A = arith.constant 0 : i32
    %eq3A_0 = arith.cmpi eq, %arg0, %eq3A : i32
    %eq3A_1 = arith.constant 0 : i32
    %eq3A_2 = arith.cmpi eq, %arg1, %eq3A_1 : i32
    %and3A = arith.andi %eq3A_0, %eq3A_2 : i1
    %convert_element_type3A = arith.extui %and3A : i1 to i32
    %cond3A = arith.constant 0 : i32
    %cond3A_3 = arith.cmpi ne, %convert_element_type3A, %cond3A : i32
    scf.if %cond3A_3 {
      "tpu.region"() ({
        %run_scoped3A = tpu.sem_alloc : memref<!tpu.dma_semaphore, #tpu.memory_space<semaphore_mem>>
        tpu.enqueue_dma source(%arg2 : memref<32xi32, #tpu.memory_space<hbm>>) target(%arg7 : memref<32xi32, #tpu.memory_space<vmem>>) target_semaphore(%run_scoped3A : memref<!tpu.dma_semaphore, #tpu.memory_space<semaphore_mem>>)
        tpu.wait_dma2 semaphore(%run_scoped3A : memref<!tpu.dma_semaphore, #tpu.memory_space<semaphore_mem>>) src(%arg2 : memref<32xi32, #tpu.memory_space<hbm>>) dst(%arg7 : memref<32xi32, #tpu.memory_space<vmem>>)
        tpu.yield
      }) : () -> ()
      "tpu.region"() ({
        %run_scoped3A = tpu.sem_alloc : memref<!tpu.dma_semaphore, #tpu.memory_space<semaphore_mem>>
        tpu.enqueue_dma source(%arg3 : memref<32xf32, #tpu.memory_space<hbm>>) target(%arg8 : memref<32xf32, #tpu.memory_space<vmem>>) target_semaphore(%run_scoped3A : memref<!tpu.dma_semaphore, #tpu.memory_space<semaphore_mem>>)
        tpu.wait_dma2 semaphore(%run_scoped3A : memref<!tpu.dma_semaphore, #tpu.memory_space<semaphore_mem>>) src(%arg3 : memref<32xf32, #tpu.memory_space<hbm>>) dst(%arg8 : memref<32xf32, #tpu.memory_space<vmem>>)
        tpu.yield
      }) : () -> ()
      "tpu.region"() ({
        %run_scoped3A = tpu.sem_alloc : memref<!tpu.dma_semaphore, #tpu.memory_space<semaphore_mem>>
        tpu.enqueue_dma source(%arg4 : memref<16xf32, #tpu.memory_space<hbm>>) target(%arg9 : memref<16xf32, #tpu.memory_space<vmem>>) target_semaphore(%run_scoped3A : memref<!tpu.dma_semaphore, #tpu.memory_space<semaphore_mem>>)
        tpu.wait_dma2 semaphore(%run_scoped3A : memref<!tpu.dma_semaphore, #tpu.memory_space<semaphore_mem>>) src(%arg4 : memref<16xf32, #tpu.memory_space<hbm>>) dst(%arg9 : memref<16xf32, #tpu.memory_space<vmem>>)
        tpu.yield
      }) : () -> ()
      "tpu.region"() ({
        %run_scoped3A = tpu.sem_alloc : memref<!tpu.dma_semaphore, #tpu.memory_space<semaphore_mem>>
        tpu.enqueue_dma source(%arg5 : memref<100000xf32, #tpu.memory_space<hbm>>) target(%arg10 : memref<100000xf32, #tpu.memory_space<vmem>>) target_semaphore(%run_scoped3A : memref<!tpu.dma_semaphore, #tpu.memory_space<semaphore_mem>>)
        tpu.wait_dma2 semaphore(%run_scoped3A : memref<!tpu.dma_semaphore, #tpu.memory_space<semaphore_mem>>) src(%arg5 : memref<100000xf32, #tpu.memory_space<hbm>>) dst(%arg10 : memref<100000xf32, #tpu.memory_space<vmem>>)
        tpu.yield
      }) : () -> ()
      %broadcast_in_dim3A = arith.constant 0.000000e+00 : f32
      %broadcast_in_dim3A_4 = vector.broadcast %broadcast_in_dim3A : f32 to vector<16xf32>
      %get3A = arith.constant 0 : index
      %get3A_5 = tpu.vector_load %arg7[%get3A] {strides = array<i32>} : memref<32xi32, #tpu.memory_space<vmem>>, vector<16xi32>,
      %gather3A = tpu.vector_load_idx %arg10[%get3A_5] : memref<100000xf32, #tpu.memory_space<vmem>>[vector<16xi32>], vector<16xf32>,
      %get3A_6 = arith.constant 0 : index
      %get3A_7 = tpu.vector_load %arg8[%get3A_6] {strides = array<i32>} : memref<32xf32, #tpu.memory_space<vmem>>, vector<16xf32>,
      %mul3A = arith.mulf %gather3A, %get3A_7 : vector<16xf32>
      %add3A = arith.addf %broadcast_in_dim3A_4, %mul3A : vector<16xf32>
      %get3A_8 = arith.constant 16 : index
      %get3A_9 = tpu.vector_load %arg7[%get3A_8] {strides = array<i32>} : memref<32xi32, #tpu.memory_space<vmem>>, vector<16xi32>,
      %gather3A_10 = tpu.vector_load_idx %arg10[%get3A_9] : memref<100000xf32, #tpu.memory_space<vmem>>[vector<16xi32>], vector<16xf32>,
      %get3A_11 = arith.constant 16 : index
      %get3A_12 = tpu.vector_load %arg8[%get3A_11] {strides = array<i32>} : memref<32xf32, #tpu.memory_space<vmem>>, vector<16xf32>,
      %mul3A_13 = arith.mulf %gather3A_10, %get3A_12 : vector<16xf32>
      %add3A_14 = arith.addf %add3A, %mul3A_13 : vector<16xf32>
      %reduce_sum3A = arith.constant true
      %reduce_sum3A_15 = vector.broadcast %reduce_sum3A : i1 to vector<16xi1>
      %reduce_sum3A_16 = tpu.scan <sum>, %add3A_14 masked %reduce_sum3A_15 : vector<16xf32>, vector<16xi1> -> vector<16xf32>
      %reduce_sum3A_17 = vector.extract %reduce_sum3A_16[15] : f32 from vector<16xf32>
      %get3A_18 = arith.constant 0 : index
      %get3A_19 = tpu.vector_load %arg9[%get3A_18] {strides = array<i32>} : memref<16xf32, #tpu.memory_space<vmem>>, vector<16xf32>,
      %mul3A_20 = vector.broadcast %reduce_sum3A_17 : f32 to vector<16xf32>
      %mul3A_21 = arith.mulf %mul3A_20, %get3A_19 : vector<16xf32>
      %swap3A = arith.constant 0 : index
      %swap3A_22 = tpu.vector_load %arg11[%swap3A] {strides = array<i32>} : memref<16xf32, #tpu.memory_space<vmem>>, vector<16xf32>,
      tpu.vector_store %arg11[%swap3A], %mul3A_21 {strides = array<i32>} : memref<16xf32, #tpu.memory_space<vmem>>, vector<16xf32>,
      "tpu.region"() ({
        %run_scoped3A = tpu.sem_alloc : memref<!tpu.dma_semaphore, #tpu.memory_space<semaphore_mem>>
        tpu.enqueue_dma source(%arg11 : memref<16xf32, #tpu.memory_space<vmem>>) target(%arg6 : memref<16xf32, #tpu.memory_space<hbm>>) target_semaphore(%run_scoped3A : memref<!tpu.dma_semaphore, #tpu.memory_space<semaphore_mem>>)
        tpu.wait_dma2 semaphore(%run_scoped3A : memref<!tpu.dma_semaphore, #tpu.memory_space<semaphore_mem>>) src(%arg11 : memref<16xf32, #tpu.memory_space<vmem>>) dst(%arg6 : memref<16xf32, #tpu.memory_space<hbm>>)
        tpu.yield
      }) : () -> ()
    } else {
    }
    return
  }
}

module attributes {stable_mosaic.version = 14 : i64} {
  func.func @_main_body(%arg0: i32, %arg1: memref<1xf32, #tpu.memory_space<smem>>, %arg2: memref<32x100000xf32, #tpu.memory_space<vmem>>, %arg3: memref<1x100000xf32, #tpu.memory_space<vmem>>, %arg4: memref<32x100000xf32, #tpu.memory_space<vmem>>) attributes {dimension_semantics = [#tpu.dimension_semantics<arbitrary>], iteration_bounds = array<i64: 32>, scalar_prefetch = 0 : i64, scratch_operands = 0 : i64, tpu.core_type = #tpu.core_type<tc>, window_params = [{transform_indices = @transform_0, window_bounds = array<i64: 1>}, {transform_indices = @transform_1, window_bounds = array<i64: 32, 100000>}, {pipeline_mode = #tpu.pipeline_mode<synchronous>, transform_indices = @transform_2, window_bounds = array<i64: 1, 100000>}, {transform_indices = @transform_3, window_bounds = array<i64: 32, 100000>}]} {
    %get3A = arith.constant 0 : index
    %get3A_0 = memref.load %arg1[%get3A] : memref<1xf32, #tpu.memory_space<smem>>
    %get3A_1 = arith.constant 0 : index
    %get3A_2 = arith.constant 0 : index
    %get3A_3 = vector.load %arg2[%get3A_1, %get3A_2] : memref<32x100000xf32, #tpu.memory_space<vmem>>, vector<32x100000xf32>
    %get3A_4 = arith.constant 0 : index
    %get3A_5 = arith.constant 0 : index
    %get3A_6 = vector.load %arg3[%get3A_4, %get3A_5] : memref<1x100000xf32, #tpu.memory_space<vmem>>, vector<1x100000xf32>
    %mul3A = vector.broadcast %get3A_0 : f32 to vector<1x100000xf32>
    %mul3A_7 = arith.mulf %mul3A, %get3A_6 : vector<1x100000xf32>
    %add3A = vector.broadcast %mul3A_7 : vector<1x100000xf32> to vector<32x100000xf32>
    %add3A_8 = arith.addf %get3A_3, %add3A : vector<32x100000xf32>
    %reduce_max3A = arith.constant dense<0xFF800000> : vector<32xf32>
    %reduce_max3A_9 = vector.multi_reduction <maximumf>, %add3A_8, %reduce_max3A [1] : vector<32x100000xf32> to vector<32xf32>
    %broadcast_in_dim3A = vector.shape_cast %reduce_max3A_9 : vector<32xf32> to vector<32x1xf32>
    %sub3A = vector.broadcast %broadcast_in_dim3A : vector<32x1xf32> to vector<32x100000xf32>
    %sub3A_10 = arith.subf %add3A_8, %sub3A : vector<32x100000xf32>
    %exp3A = math.exp %sub3A_10 : vector<32x100000xf32>
    %reduce_sum3A = arith.constant dense<0.000000e+00> : vector<32xf32>
    %reduce_sum3A_11 = vector.multi_reduction <add>, %exp3A, %reduce_sum3A [1] : vector<32x100000xf32> to vector<32xf32>
    %broadcast_in_dim3A_12 = vector.shape_cast %reduce_sum3A_11 : vector<32xf32> to vector<32x1xf32>
    %log3A = math.log %broadcast_in_dim3A_12 : vector<32x1xf32>
    %sub3A_13 = vector.broadcast %broadcast_in_dim3A : vector<32x1xf32> to vector<32x100000xf32>
    %sub3A_14 = arith.subf %add3A_8, %sub3A_13 : vector<32x100000xf32>
    %sub3A_15 = vector.broadcast %log3A : vector<32x1xf32> to vector<32x100000xf32>
    %sub3A_16 = arith.subf %sub3A_14, %sub3A_15 : vector<32x100000xf32>
    %swap3A = arith.constant 0 : index
    %swap3A_17 = arith.constant 0 : index
    %swap3A_18 = vector.load %arg4[%swap3A, %swap3A_17] : memref<32x100000xf32, #tpu.memory_space<vmem>>, vector<32x100000xf32>
    tpu.vector_store %arg4[%swap3A, %swap3A_17], %sub3A_16 {strides = array<i32>} : memref<32x100000xf32, #tpu.memory_space<vmem>>, vector<32x100000xf32>,
    return
  }
  func.func @transform_0(%arg0: i32) -> i32 {
    %c0_i32 = arith.constant 0 : i32
    %c0_i32_0 = arith.constant 0 : i32
    return %c0_i32 : i32
  }
  func.func @transform_1(%arg0: i32) -> (i32, i32) {
    %c0_i32 = arith.constant 0 : i32
    %c0_i32_0 = arith.constant 0 : i32
    return %arg0, %c0_i32 : i32, i32
  }
  func.func @transform_2(%arg0: i32) -> (i32, i32) {
    %c0_i32 = arith.constant 0 : i32
    %c0_i32_0 = arith.constant 0 : i32
    %c0_i32_1 = arith.constant 0 : i32
    return %c0_i32, %c0_i32_0 : i32, i32
  }
  func.func @transform_3(%arg0: i32) -> (i32, i32) {
    %c0_i32 = arith.constant 0 : i32
    %c0_i32_0 = arith.constant 0 : i32
    return %arg0, %c0_i32 : i32, i32
  }
}

</mosaic_0001>

<sc_bundles>
// kernel: kernel.4.cloned.1.call-start
scs
__scs_entry_jumppad:
0x0: {  	(pc) =	sbr.rel $0x88, $3  }
0x1: {  	(tag) =	ssettag $0x0;
	lr =	simm.s32 $0x1  }
0x2: {  	[smem:$0x3F9A] =	sst lr;
	_ =	strace $0xD0000000  }
0x3: {  	_ = 	snop  }
0x4: {  	_ = 	snop  }
0x5: {  	_ = 	snop  }
0x6: {  	_ = 	snop  }
0x7: {  	_ = 	snop  }
__scs_overlays_trampoline_lowered:
0x8: {  	[smem:$0x3FA9] =	sst s0  }
0x9: {  	[smem:$0x3FAA] =	sst s1  }
0xa: {  	[smem:$0x3FAB] =	sst s2  }
0xb: {  	[smem:$0x3FAC] =	sst s3  }
0xc: {  	[smem:$0x3FAD] =	sst s4  }
0xd: {  	[smem:$0x3FAE] =	sst s5  }
0xe: {  	[smem:$0x3FAF] =	sst s6  }
0xf: {  	[smem:$0x3FB0] =	sst s7  }
0x10: {  	[smem:$0x3FB1] =	sst s8  }
0x11: {  	[smem:$0x3FB2] =	sst s9;
	s0 =	simm.s32 @!p0 $0x0  }
0x12: {  	s1 =	sld [smem:$0x3F98];
	s0 =	simm.s32 @p0 $0x1  }
0x13: {  	[smem:$0x3FB3] =	sst s0;
	s0 =	simm.s32 @!p1 $0x0  }
0x14: {  	s2 =	sld [smem:$0x3F97];
	s0 =	simm.s32 @p1 $0x1  }
0x15: {  	[smem:$0x3FB4] =	sst s0;
	s0 =	simm.s32 @!p2 $0x0  }
0x16: {  	s3 =	sld [smem:$0x3FDB];
	s0 =	simm.s32 @p2 $0x1  }
0x17: {  	s4 =	simm.s32 $0x1BF5;
	[smem:$0x3FB6] =	sst s0  }
0x18: {  	s0 =	sld [smem:$0x3F99];
	_ =	swait.ge [sflag:s4], $0x0  }
0x19: {  	s7 =	sld [smem:$0x3F9A]  }
0x1a: {  	s8 =	sadd.s32 $0xFFFFE003, lr  }
0x1b: {  	s9 =	sadd.s32 $0xFFFFFEF7, lr;
	s5 =	simm.s32 $0xFFFFFFFF;
	p2 =	slt.u32 s8, $0xFFFFF086  }
0x1c: {  	p1 =	slt.u32 s9, $0xF7A;
	s5 =	simm.s32 @!p2 $0x0  }
0x1d: {  	s5 =	simm.s32 @p1 $0x1;
	p0 =	seq.s32 s7, s2  }
0x1e: {  	s7 =	smul.u32 @!p0 $0xF7A, s2;
	p2 =	seq.s32 @!p0 s5, $0x0  }
0x1f: {  	s9 =	smul.u32 $0xF7A, s1;
	s8 =	simm.s32 @!p0 $0x1BF5;
	p2 =	por !p2, p0  }
0x20: {  	[sflag:s8] =	ssyncset.s32 @!p0 $0xFFFFF086;
	s6 =	sadd.s32 @!p0 s3, s7;
	s7 =	simm.s32 @!p0 $0x108  }
0x21: {  	s3 =	sadd.s32 s3, s9;
	s6 =	sadd.s32 @!p0 $0x88, s6;
	s7 =	simm.s32 @p2 $0x1082  }
0x22: {  	[simem:s7], [sflag:s8] =	dma.local @!p0 [hbm:s6], $0xF7A  }
0x23: {  	s9 =	sor.u32 $0xD0000000, s2;
	s6 =	simm.s32 $0x108;
	_ =	swait.ge @!p0 [sflag:s8], $0x0  }
0x24: {  	s3 =	sadd.s32 $0x88, s3;
	s6 =	simm.s32 @!p1 $0x1082;
	[sflag:s4] =	ssyncset.s32 $0xFFFFF086  }
0x25: {  	[simem:s6], [sflag:s4] =	dma.local [hbm:s3], $0xF7A  }
0x26: {  	[smem:$0x3F9A] =	sst s1;
	(tag) =	ssettag s2;
	_ =	strace s9  }
0x27: {  	s1 =	sld [smem:$0x3FAA]  }
0x28: {  	s2 =	sld [smem:$0x3FAB]  }
0x29: {  	s4 =	sld [smem:$0x3FAD]  }
0x2a: {  	p0 =	seq.s32 s5, $0x0;
	s5 =	sld [smem:$0x3FAE]  }
0x2b: {  	s6 =	sld [smem:$0x3FAF]  }
0x2c: {  	s7 =	sld [smem:$0x3FB0]  }
0x2d: {  	s3 =	simm.s32 $0x108;
	s8 =	sld [smem:$0x3FB1]  }
0x2e: {  	s3 =	simm.s32 @!p0 $0x1082;
	s9 =	sld [smem:$0x3FB2]  }
0x2f: {  	lr =	sadd.s32 s0, s3;
	s0 =	sld [smem:$0x3FA9]  }
0x30: {  	s3 =	sld [smem:$0x3FAC]  }
0x31: {  	[smem:$0x3FB5] =	sst s10  }
0x32: {  	s10 =	sld [smem:$0x3FB3];
	_ =	sdelay $0x3  }
0x33: {  	p0 =	seq.s32 s10, $0x1;
	s10 =	sld [smem:$0x3FB5];
	_ =	sdelay $0x3  }
0x34: {  	[smem:$0x3FB5] =	sst s10  }
0x35: {  	s10 =	sld [smem:$0x3FB4];
	_ =	sdelay $0x3  }
0x36: {  	p1 =	seq.s32 s10, $0x1;
	s10 =	sld [smem:$0x3FB5];
	_ =	sdelay $0x3  }
0x37: {  	[smem:$0x3FB5] =	sst s10  }
0x38: {  	s10 =	sld [smem:$0x3FB6]  }
0x39: {  	_ = 	snop;
	(pc) =	sbr.ind lr, $3  }
0x3a: {  	_ = 	snop  }
0x3b: {  	_ = 	snop  }
0x3c: {  	p2 =	seq.s32 s10, $0x1;
	s10 =	sld [smem:$0x3FB5]  }
0x3d: {  	_ =	shalt  }
0x3e: {  	_ =	shalt  }
0x3f: {  	_ =	shalt  }
0x40: {  	_ =	shalt  }
0x41: {  	_ =	shalt  }
0x42: {  	_ =	shalt  }
0x43: {  	_ =	shalt  }
0x44: {  	_ =	shalt  }
0x45: {  	_ =	shalt  }
0x46: {  	_ =	shalt  }
0x47: {  	_ =	shalt  }
0x48: {  	_ =	shalt  }
0x49: {  	_ =	shalt  }
0x4a: {  	_ =	shalt  }
0x4b: {  	_ =	shalt  }
0x4c: {  	_ =	shalt  }
0x4d: {  	_ =	shalt  }
0x4e: {  	_ =	shalt  }
0x4f: {  	_ =	shalt  }
0x50: {  	_ =	shalt  }
0x51: {  	_ =	shalt  }
0x52: {  	_ =	shalt  }
0x53: {  	_ =	shalt  }
0x54: {  	_ =	shalt  }
0x55: {  	_ =	shalt  }
0x56: {  	_ =	shalt  }
0x57: {  	_ =	shalt  }
0x58: {  	_ =	shalt  }
0x59: {  	_ =	shalt  }
0x5a: {  	_ =	shalt  }
0x5b: {  	_ =	shalt  }
0x5c: {  	_ =	shalt  }
0x5d: {  	_ =	shalt  }
0x5e: {  	_ =	shalt  }
0x5f: {  	_ =	shalt  }
0x60: {  	_ =	shalt  }
0x61: {  	_ =	shalt  }
0x62: {  	_ =	shalt  }
0x63: {  	_ =	shalt  }
0x64: {  	_ =	shalt  }
0x65: {  	_ =	shalt  }
0x66: {  	_ =	shalt  }
0x67: {  	_ =	shalt  }
0x68: {  	_ =	shalt  }
0x69: {  	_ =	shalt  }
0x6a: {  	_ =	shalt  }
0x6b: {  	_ =	shalt  }
0x6c: {  	_ =	shalt  }
0x6d: {  	_ =	shalt  }
0x6e: {  	_ =	shalt  }
0x6f: {  	_ =	shalt  }
0x70: {  	_ =	shalt  }
0x71: {  	_ =	shalt  }
0x72: {  	_ =	shalt  }
0x73: {  	_ =	shalt  }
0x74: {  	_ =	shalt  }
0x75: {  	_ =	shalt  }
0x76: {  	_ =	shalt  }
0x77: {  	_ =	shalt  }
0x78: {  	_ =	shalt  }
0x79: {  	_ =	shalt  }
0x7a: {  	_ =	shalt  }
0x7b: {  	_ =	shalt  }
0x7c: {  	_ =	shalt  }
0x7d: {  	_ =	shalt  }
0x7e: {  	_ =	shalt  }
0x7f: {  	_ =	shalt  }
0x80: {  	_ =	shalt  }
0x81: {  	_ =	shalt  }
0x82: {  	_ =	shalt  }
0x83: {  	_ =	shalt  }
0x84: {  	_ =	shalt  }
0x85: {  	_ =	shalt  }
0x86: {  	_ =	shalt  }
0x87: {  	_ =	shalt  }
.Lfunc_end0:
.L_simem_size_0:
called_computation_lowered:
.L_overlay_start_0:
0x88: {  	s2 =	sld [smem:$0x3FD9]  }
0x89: {  	s3 =	sld [smem:$0x3FFE];
	_ =	sdelay $0x1  }
0x8a: {  	s1 =	srdreg.scid  }
0x8b: {  	s0 =	sand.u32 $0x1, s1  }
0x8c: {  	s17 =	sshll.u32 s0, $0xA;
	s2 =	sadd.s32 s3, s2  }
0x8d: {  	s2 =	sadd.s32 s2, s17  }
0x8e: {  	[smem:$0x3FC1] =	sst s2  }
0x8f: {  	_ = 	snop  }
0x90: {  	s2 =	sld [smem:$0x3FD0];
	(tm) =	ssettm $0x1  }
0x91: {  	s18 =	sld [smem:$0x3FFB];
	_ =	sdelay $0x3  }
0x92: {  	_ =	strace s18  }
0x93: {  	s3 =	sld [smem:$0x3FFC];
	_ =	sdelay $0x3  }
0x94: {  	_ =	strace s3  }
0x95: {  	s3 =	sld [smem:$0x3FFD];
	_ =	sdelay $0x3  }
0x96: {  	_ =	strace s3  }
0x97: {  	_ =	strace $0x8FFFFFFF  }
0x98: {  	s19 =	sld [smem:$0x3FDB];
	_ =	sdelay $0x1  }
0x99: {  	s4 =	simm.s32 $_scs_section_size  }
0x9a: {  	s5 =	simm.s32 $_size__tile_overlayer_lowered;
	s6 =	simm.s32 $_tile_overlayer_lowered  }
0x9b: {  	s22 =	simm.s32 $0x1BFF;
	s21 =	sshll.u32 s6, $0x1;
	s3 =	sadd.s32 s4, s19  }
0x9c: {  	s7 =	simm.s32 $0x0;
	s20 =	sshll.u32 s5, $0x1;
	s5 =	sadd.s32 s21, s3  }
0x9d: {  	[timem:s7], [sflag:s22] =	dma.local [hbm:s5], s20  }
0x9e: {  	_ =	swait.ge [sflag:s22], s20  }
0x9f: {  	s4 =	ssub.s32 $0x0, s20;
	[sflag:s22] =	ssyncset.done $0x0  }
0xa0: {  	[sflag:s22] =	ssyncadd.s32 s4;
	_ =	sdelay $0x1  }
0xa1: {  	s23 =	simm.s32 $0x1B8B  }
0xa2: {  	_ =	swait.ge [sflag:s23], $0x1  }
0xa3: {  	[sflag:s23] =	ssyncset.done $0x0  }
0xa4: {  	s25 =	simm.s32 $0x1B8E;
	s24 =	sld [smem:$0x3FFE];
	[sflag:s23] =	ssyncadd.s32 $0xFFFFFFFF  }
0xa5: {  	s26 =	simm.s32 $execute0_lowered;
	[smem:$0x3FD2] =	sst s25  }
0xa6: {  	s5 =	sshll.u32 s26, $0x1;
	_ =	strace $0x80000046;
	[dreg:$0x1] =	wrdreg $0xFFFFFFFF  }
0xa7: {  	s28 =	simm.s32 $_size_execute0_lowered;
	s3 =	sadd.s32 s3, s5;
	[dreg:$0x0] =	wrdreg $0x0  }
0xa8: {  	s5 =	sshll.u32 s28, $0x1;
	[dreg:$0x2] =	wrdreg s3  }
0xa9: {  	[dreg:$0x3] =	wrdreg s5  }
0xaa: {  	[dreg:$0x4] =	wrdreg $0xC0  }
0xab: {  	_ =	task [dreg:s7], $0x5FFFF  }
0xac: {  	[dreg:$0x1] =	wrdreg $0xFFFFFFFF  }
0xad: {  	[dreg:$0x0] =	wrdreg $0x60  }
0xae: {  	[dreg:$0x2] =	wrdreg s24  }
0xaf: {  	[dreg:$0x3] =	wrdreg s2  }
0xb0: {  	[dreg:$0x4] =	wrdreg $0x9  }
0xb1: {  	_ =	task.clear_ibuf [dreg:s7], $0x5FFFF;
	_ =	strace $0x90000046  }
0xb2: {  	s29 =	simm.s32 $0x9;
	_ =	strace $0x80000048  }
0xb3: {  	_ =	swait.ge [sflag:s29], $0x1  }
0xb4: {  	[sflag:s29] =	ssyncadd.s32 $0xFFFFFFFF  }
0xb5: {  	_ =	strace $0x90000048  }
0xb6: {  	_ =	sfence  }
0xb7: {  	s30 =	sld [smem:$0x0];
	_ =	sdelay $0x2  }
0xb8: {  	s31 =	sshll.u32 s1, $0xD;
	s1 =	sshrl.u32 s1, $0x2  }
0xb9: {  	s3 =	sand.u32 $0x4000, s31;
	s1 =	sadd.s32 s1, s30  }
0xba: {  	s0 =	sor.u32 s3, s0;
	s1 =	sshll.u32 s1, $0x11  }
0xbb: {  	s0 =	sor.u32 s1, s0  }
0xbc: {  	s0 =	sadd.s32 $0x8F2B, s0  }
0xbd: {  	[sflag:s0] =	ssyncadd.remote.s32 $0x1  }
0xbe: {  	_ =	sfence.sel $0xFFFF  }
0xbf: {  	[dreg:$0x0] =	wrdreg $0xFFFFFFFF;
	(pc) =	sbr.abs _section_cstart, $3  }
0xc0: {  	[dreg:$0x1] =	wrdreg $0xFFFFFFFF  }
0xc1: {  	_ =	task.clear_ibuf [dreg:s7], $0x2FFFF;
	_ =	strace $0x9FFFFFFF  }
0xc2: {  	(tm) =	ssettm $0x7FFFFFFF  }
0xc3: {  	_ =	shalt  }
tec
execute0_lowered:
.L_overlay_start_1:
0x0: {  	(tag) =	ssettag $0x1  }
0x1: {  	s0 =	srdreg.scid  }
0x2: {  	s11 =	sand.u32 $0x1, s0;
	s0 =	stileid.u32  }
0x3: {  	s4 =	sor.u32 s0, s11  }
0x4: {  	p0 =	sne.s32 s4, $0x0  }
.Ltmp0:
0x5: {  	_ = 	snop;
	(pc) =	sbr.rel @p0 .LBB2_4-.Ltmp0, $4  }
0x6: {  	_ = 	snop  }
0x7: {  	s2 =	rddreg [dreg:$0x0]  }
0x8: {  	s3 =	rddreg [dreg:$0x1]  }
0x9: {  	s1 =	rddreg [dreg:$0x2];
	_ =	strace $0x80000047  }
0xa: {  	s5 =	simm.s32 $0x0;
	s4 =	simm.s32 $0x1  }
0xb: {  	[tilespmem:s5], [sflag:$0x1] =	stream.linear.gather [hbm4b:s2+s5], $0x80, $0x38;
	[tilespmem:$0x18900] =	vst v63  }
0xc: {  	_ =	swait.ge [sflag:s4], $0x80  }
0xd: {  	[sflag:s4] =	ssyncset.done $0x0  }
0xe: {  	s6 =	sadd.s32 $0x200, s2;
	s7 =	simm.s32 $0x80;
	[sflag:s4] =	ssyncadd.s32 $0xFFFFFF80  }
0xf: {  	[tilespmem:s7], [sflag:$0x1] =	stream.linear.gather [hbm4b:s6+s5], $0x80, $0x38;
	[tilespmem:$0x18900] =	vst v63  }
0x10: {  	_ =	swait.ge [sflag:s4], $0x80  }
0x11: {  	[sflag:s4] =	ssyncset.done $0x0  }
0x12: {  	s8 =	sadd.s32 $0x400, s2;
	s9 =	simm.s32 $0x100;
	[sflag:s4] =	ssyncadd.s32 $0xFFFFFF80  }
0x13: {  	[tilespmem:s9], [sflag:$0x1] =	stream.linear.gather [hbm4b:s8+s5], $0x80, $0x38;
	[tilespmem:$0x18900] =	vst v63  }
0x14: {  	_ =	swait.ge [sflag:s4], $0x80  }
0x15: {  	[sflag:s4] =	ssyncset.done $0x0  }
0x16: {  	s10 =	simm.s32 $0x180;
	[sflag:s4] =	ssyncadd.s32 $0xFFFFFF80  }
0x17: {  	[tilespmem:s10], [sflag:$0x1] =	stream.linear.gather [hbm4b:s3+s5], $0x18700, $0x38;
	[tilespmem:$0x18900] =	vst v63  }
0x18: {  	_ =	swait.ge [sflag:s4], $0x18700  }
0x19: {  	[sflag:s4] =	ssyncset.done $0x0  }
0x1a: {  	[sflag:s4] =	ssyncadd.s32 $0xFFFE7900  }
0x1b: {  	v0 =	vld [tilespmem:$0x0];
	_ =	sdelay $0x1  }
0x1c: {  	v1 =	vld [tilespmem:$0x10];
	_ =	sdelay $0x4  }
0x1d: {  	v2 =	vld [tilespmem:$0x80]  }
0x1e: {  	v0 =	vld.idx.msk [tilespmem:v0+s10+$0x0], $0xffff  }
0x1f: {  	v3 =	vld [tilespmem:$0x90]  }
0x20: {  	v1 =	vld.idx.msk [tilespmem:v1+s10+$0x0], $0xffff;
	_ =	sdelay $0x2  }
0x21: {  	v0 =	vmul.f32 v2, v0;
	_ =	sdelay $0x1  }
0x22: {  	v1 =	vmul.f32 v3, v1;
	v0 =	vadd.f32 $0.0e+00, v0;
	_ =	sdelay $0x1  }
0x23: {  	v0 =	vadd.f32 v1, v0;
	_ =	sdelay $0x1  }
0x24: {  	(xrf2) =	vadd.scan.msk.f32 $0xffff, v0;
	_ =	sdelay $0x7  }
0x25: {  	v62 =	vld [tilespmem:$0x100];
	_ =	sdelay $0x1  }
0x26: {  	s12 =	ssub.s32 $0x2, s11;
	v63, _, _ =	vpop (xrf2)  }
0x27: {  	s13 =	sshrl.u32 s12, $0x1;
	v1 =	vbroadcast v63, $0xF  }
0x28: {  	s13 =	ssub.s32 s12, s13  }
0x29: {  	p0 =	sne.s32 s13, $0x1;
	v0 =	vmul.f32 v1, v62  }
.Ltmp1:
0x2a: {  	_ = 	snop;
	(pc) =	sbr.rel @!p0 .LBB2_3-.Ltmp1, $4  }
0x2b: {  	s11 =	sadd.s32 $0x600, s2;
	s12 =	simm.s32 $0x18880;
	[tilespmem:$0x18880] =	vst v0  }
0x2c: {  	[hbm4b:s11+s5] =	stream.linear.scatter [tilespmem:s12], [sflag:$0x1], $0x80, $0x38;
	[tilespmem:$0x18900] =	vst v63  }
0x2d: {  	_ =	swait.ge [sflag:s4], $0x80  }
0x2e: {  	s13 =	sadd.s32 $0xFFFFFFFF, s13;
	[sflag:s4] =	ssyncset.done $0x0  }
.LBB2_2:
0x2f: {  	p0 =	sne.s32 s13, $0x1;
	s13 =	sadd.s32 $0xFFFFFFFF, s13;
	[sflag:s4] =	ssyncadd.s32 $0xFFFFFF80  }
0x30: {  	[tilespmem:s5], [sflag:$0x1] =	stream.linear.gather [hbm4b:s2+s5], $0x80, $0x38;
	[tilespmem:$0x18900] =	vst v63  }
0x31: {  	_ =	swait.ge [sflag:s4], $0x80  }
0x32: {  	[sflag:s4] =	ssyncset.done $0x0  }
0x33: {  	[sflag:s4] =	ssyncadd.s32 $0xFFFFFF80  }
0x34: {  	[tilespmem:s7], [sflag:$0x1] =	stream.linear.gather [hbm4b:s6+s5], $0x80, $0x38;
	[tilespmem:$0x18900] =	vst v63  }
0x35: {  	_ =	swait.ge [sflag:s4], $0x80  }
0x36: {  	[sflag:s4] =	ssyncset.done $0x0  }
0x37: {  	[sflag:s4] =	ssyncadd.s32 $0xFFFFFF80  }
0x38: {  	[tilespmem:s9], [sflag:$0x1] =	stream.linear.gather [hbm4b:s8+s5], $0x80, $0x38;
	[tilespmem:$0x18900] =	vst v63  }
0x39: {  	_ =	swait.ge [sflag:s4], $0x80  }
0x3a: {  	[sflag:s4] =	ssyncset.done $0x0  }
0x3b: {  	[sflag:s4] =	ssyncadd.s32 $0xFFFFFF80  }
0x3c: {  	[tilespmem:s10], [sflag:$0x1] =	stream.linear.gather [hbm4b:s3+s5], $0x18700, $0x38;
	[tilespmem:$0x18900] =	vst v63  }
0x3d: {  	_ =	swait.ge [sflag:s4], $0x18700  }
0x3e: {  	[sflag:s4] =	ssyncset.done $0x0  }
0x3f: {  	[sflag:s4] =	ssyncadd.s32 $0xFFFE7900  }
0x40: {  	v0 =	vld [tilespmem:$0x0]  }
0x41: {  	v1 =	vld [tilespmem:$0x10];
	_ =	sdelay $0x5  }
0x42: {  	v2 =	vld [tilespmem:$0x80]  }
0x43: {  	v0 =	vld.idx.msk [tilespmem:v0+s10+$0x0], $0xffff  }
0x44: {  	v1 =	vld.idx.msk [tilespmem:v1+s10+$0x0], $0xffff;
	_ =	sdelay $0x1  }
0x45: {  	v3 =	vld [tilespmem:$0x90];
	_ =	sdelay $0x2  }
0x46: {  	v0 =	vmul.f32 v2, v0;
	_ =	sdelay $0x1  }
0x47: {  	v0 =	vadd.f32 $0.0e+00, v0;
	v1 =	vmul.f32 v3, v1;
	_ =	sdelay $0x1  }
0x48: {  	v0 =	vadd.f32 v1, v0;
	_ =	sdelay $0x1  }
0x49: {  	(xrf2) =	vadd.scan.msk.f32 $0xffff, v0;
	_ =	sdelay $0x7  }
0x4a: {  	v0 =	vld [tilespmem:$0x100];
	_ =	sdelay $0x1  }
0x4b: {  	v1, _, _ =	vpop (xrf2)  }
0x4c: {  	v1 =	vbroadcast v1, $0xF;
	_ =	sdelay $0x1  }
0x4d: {  	v0 =	vmul.f32 v1, v0  }
.Ltmp2:
0x4e: {  	(pc) =	sbr.rel @p0 .LBB2_2-.Ltmp2, $4  }
0x4f: {  	[tilespmem:$0x18880] =	vst v0  }
0x50: {  	[hbm4b:s11+s5] =	stream.linear.scatter [tilespmem:s12], [sflag:$0x1], $0x80, $0x38;
	[tilespmem:$0x18900] =	vst v63  }
0x51: {  	_ =	swait.ge [sflag:s4], $0x80  }
0x52: {  	[sflag:s4] =	ssyncset.done $0x0  }
.LBB2_3:
0x53: {  	[sflag:s4] =	ssyncadd.s32 $0xFFFFFF80  }
.LBB2_4:
0x54: {  	_ =	sfence.sel $0x180000  }
0x55: {  	[bflag:$0x0] =	sbarrier.arrive $0xFFFF  }
0x56: {  	p0 =	sne.s32 s0, $0x0;
	_ =	strace $0x90000047  }
0x57: {  	s0 =	sadd.s32 @!p0 $0x100000, s1;
	[bflag:$0x2] =	sbarrier.arrive $0xFFFF  }
0x58: {  	[sflag:s0] =	ssyncadd.tile.s32 @!p0 $0x1;
	_ =	shalt  }
.Lfunc_end2:
_tile_overlayer_lowered:
.L_overlay_start_2:
0x59: {  	(tag) =	ssettag $0x2  }
0x5a: {  	s0 =	rddreg [dreg:$0x0];
	s2 =	stileid.u32  }
0x5b: {  	s1 =	rddreg [dreg:$0x1];
	p0 =	sne.s32 s2, $0x0  }
0x5c: {  	s3 =	rddreg [dreg:$0x2];
	[bflag:$0x3] =	sbarrier.arrive $0xFFFF;
	s2 =	simm.s32 @!p0 $0x1C01  }
0x5d: {  	[timem:s3], [sflag:s2] =	dma.local @!p0 [hbm:s0], s1  }
0x5e: {  	s0 =	simm.s32 @!p0 $0x1  }
0x5f: {  	_ =	swait.ge @!p0 [sflag:s0], s1  }
0x60: {  	s1 =	ssub.s32 @!p0 $0x0, s1;
	[sflag:s0] =	ssyncset.done @!p0 $0x0  }
0x61: {  	[sflag:s0] =	ssyncadd.s32 @!p0 s1  }
0x62: {  	[bflag:$0x3] =	sbarrier.arrive $0xFFFF  }
0x63: {  	_ =	shalt  }

</sc_bundles>
